<compile_context>
chip_gen: v7x
topology: tpu7x:2x2x1
jax: 0.10.2.dev20260603
libtpu: 0.0.44.dev20260713+nightly
codegen_flags: <defaults>
</compile_context>

<pallas_src>
import functools

import jax
import jax.numpy as jnp
from jax import lax
from jax.experimental import pallas as pl
from jax.experimental.pallas import tpu as pltpu
from jax.experimental.pallas import tpu_sc as plsc

NC = 2
NS = 16
NW = NC * NS
NB = 4
DP = 128
TP = 128


@jax.jit
def _embed_lookup(table, idx):
    R, S = idx.shape
    V, _ = table.shape
    RW = R // NW
    nstep = RW
    chunks = [(0, 128), (128, S - 128)] if S > 128 else [(0, S)]
    mesh = plsc.VectorSubcoreMesh(
        core_axis_name="c", subcore_axis_name="s", num_cores=NC, num_subcores=NS
    )

    @functools.partial(
        pl.kernel,
        out_type=jax.ShapeDtypeStruct((R, S, DP), jnp.float32),
        mesh=mesh,
        scratch_types=[
            pltpu.VMEM((RW, S), jnp.int32),
            pltpu.VMEM((NB, S, TP), jnp.float32),
            pltpu.SemaphoreType.DMA,
            pltpu.SemaphoreType.DMA,
        ],
        compiler_params=pltpu.CompilerParams(use_tc_tiling_on_sc=False),
    )
    def body(table_hbm, idx_hbm, out_hbm, idx_v, rows_v, gsem, osem):
        wid = lax.axis_index("s") * NC + lax.axis_index("c")
        row0 = wid * RW
        pltpu.sync_copy(idx_hbm.at[pl.ds(row0, RW)], idx_v)

        def gather_descs(b, r, make):
            return [
                make(
                    table_hbm.at[idx_v.at[r, pl.ds(o, w)]],
                    rows_v.at[b, pl.ds(o, w)],
                    gsem,
                )
                for (o, w) in chunks
            ]

        def fire(b, r):
            gather_descs(b, r, pltpu.async_copy)

        def wait_gathers(b, r):
            for d in gather_descs(b, r, pltpu.make_async_copy):
                d.wait()

        def start_out(b, r):
            pltpu.async_copy(
                rows_v.at[b, :, pl.ds(0, 64)],
                out_hbm.at[row0 + r, :, pl.ds(0, 64)],
                osem,
            )

        def wait_out(b, r):
            pltpu.make_async_copy(
                rows_v.at[b, :, pl.ds(0, 64)],
                out_hbm.at[row0 + r, :, pl.ds(0, 64)],
                osem,
            ).wait()

        for s in range(NB - 1):
            fire(s, s)

        def step_fn(s, carry):
            b = lax.rem(s, NB)
            wait_gathers(b, s)
            start_out(b, s)
            s2 = s + (NB - 1)
            b2 = lax.rem(s2, NB)

            @pl.when(s2 < nstep)
            def _():
                @pl.when(s >= 1)
                def _():
                    wait_out(b2, s - 1)

                fire(b2, s2)

            return carry

        lax.fori_loop(0, nstep, step_fn, 0)
        for s in range(nstep - NB, nstep):
            wait_out(s % NB, s)

    return body(table, idx)


def kernel(input, table):
    sel = jnp.eye(table.shape[1], TP, dtype=table.dtype)
    tablep = jax.lax.dot_general(
        table, sel, (((1,), (0,)), ((), ())),
        precision=jax.lax.Precision.HIGHEST,
        preferred_element_type=jnp.float32,
    )
    out128 = _embed_lookup(tablep, input.astype(jnp.int32))
    return out128[:, :, : table.shape[1]]

# --- scband reference (transcript-rebuilt; emitter-appended) ---
"""Pipeline reference for scband-embedding-50946902065886 (READ-ONLY COPY).

The authoritative reference and input builder live on the scoring server;
editing this copy changes nothing except your own understanding.
"""

import jax, jax.numpy as jnp
import numpy as np

VOC_SIZE = 1000000
EMBED_SIZE = 64

def setup_inputs(seed: int = 0) -> dict:
    key = jax.random.key(seed)
    k1, k2 = jax.random.split(key)
    inp = jax.random.randint(k1, (4096, 200), 0, VOC_SIZE, dtype=jnp.int64 if jax.config.jax_enable_x64 else jnp.int32)
    table = jax.random.normal(k2, (VOC_SIZE, EMBED_SIZE), dtype=jnp.float32)
    return {"input": inp, "table": table}

def reference(input, table):
    # nn.Embedding forward: gather rows of the embedding table
    input_embed = jnp.take(table, input, axis=0)
    return input_embed

if __name__ == "__main__":
    import jax
    _d = setup_inputs()
    print(jax.jit(kernel)(*tuple(_d.values())))

</pallas_src>

<mosaic_0001>
#map = affine_map<(d0, d1) -> (0, 0)>
#map1 = affine_map<(d0, d1) -> (0, 0, 0)>
module attributes {stable_mosaic.version = 14 : i64} {
  func.func @body(%arg0: i32, %arg1: i32, %arg2: memref<1000000x128xf32, #tpu.memory_space<hbm>>, %arg3: memref<4096x200xi32, #tpu.memory_space<hbm>>, %arg4: memref<4096x200x128xf32, #tpu.memory_space<hbm>>, %arg5: memref<128x200xi32, #tpu.memory_space<vmem>>, %arg6: memref<4x200x128xf32, #tpu.memory_space<vmem>>, %arg7: memref<!tpu.dma_semaphore, #tpu.memory_space<semaphore_mem>>, %arg8: memref<!tpu.dma_semaphore, #tpu.memory_space<semaphore_mem>>) attributes {dimension_semantics = [#tpu.dimension_semantics<core_parallel>, #tpu.dimension_semantics<subcore_parallel>], iteration_bounds = array<i64: 2, 16>, scalar_prefetch = 0 : i64, scratch_operands = 4 : i64, tpu.core_type = #tpu.core_type<sc_vector_subcore>, window_params = [{transform_indices = #map}, {transform_indices = #map}, {transform_indices = #map1}]} {
    %mul3A = arith.constant 2 : i32
    %mul3A_0 = arith.muli %arg1, %mul3A : i32
    %add3A = arith.addi %mul3A_0, %arg0 : i32
    %mul3A_1 = arith.constant 128 : i32
    %mul3A_2 = arith.muli %add3A, %mul3A_1 : i32
    "tpu.region"() ({
      %run_scoped3A = tpu.sem_alloc : memref<!tpu.dma_semaphore, #tpu.memory_space<semaphore_mem>>
      %dma_start3A_154 = arith.constant 0 : i32
      %dma_start3A_155 = tpu.memref_slice %arg3[%mul3A_2, %dma_start3A_154] : memref<4096x200xi32, #tpu.memory_space<hbm>> -> memref<128x200xi32, #tpu.memory_space<hbm>>
      %dma_start3A_156 = arith.constant 0 : i32
      %dma_start3A_157 = tpu.memref_slice %arg3[%mul3A_2, %dma_start3A_156] : memref<4096x200xi32, #tpu.memory_space<hbm>> -> memref<128x200xi32, #tpu.memory_space<hbm>>
      tpu.enqueue_dma source(%dma_start3A_157 : memref<128x200xi32, #tpu.memory_space<hbm>>) target(%arg5 : memref<128x200xi32, #tpu.memory_space<vmem>>) target_semaphore(%run_scoped3A : memref<!tpu.dma_semaphore, #tpu.memory_space<semaphore_mem>>)
      %dma_wait3A_158 = arith.constant 0 : i32
      %dma_wait3A_159 = tpu.memref_slice %arg3[%mul3A_2, %dma_wait3A_158] : memref<4096x200xi32, #tpu.memory_space<hbm>> -> memref<128x200xi32, #tpu.memory_space<hbm>>
      %dma_wait3A_160 = arith.constant 0 : i32
      %dma_wait3A_161 = tpu.memref_slice %arg3[%mul3A_2, %dma_wait3A_160] : memref<4096x200xi32, #tpu.memory_space<hbm>> -> memref<128x200xi32, #tpu.memory_space<hbm>>
      tpu.wait_dma2 semaphore(%run_scoped3A : memref<!tpu.dma_semaphore, #tpu.memory_space<semaphore_mem>>) src(%dma_wait3A_161 : memref<128x200xi32, #tpu.memory_space<hbm>>) dst(%arg5 : memref<128x200xi32, #tpu.memory_space<vmem>>)
      tpu.yield
    }) : () -> ()
    %dma_start3A = arith.constant 0 : i32
    %dma_start3A_3 = arith.constant 0 : i32
    %dma_start3A_4 = arith.constant 0 : i32
    %dma_start3A_5 = arith.constant 0 : i32
    %dma_start3A_6 = tpu.memref_slice %arg6[%dma_start3A_3, %dma_start3A_4, %dma_start3A_5] : memref<4x200x128xf32, #tpu.memory_space<vmem>> -> memref<1x128x128xf32, #tpu.memory_space<vmem>>
    %dma_start3A_7 = tpu.memref_squeeze %dma_start3A_6 : memref<1x128x128xf32, #tpu.memory_space<vmem>> -> memref<128x128xf32, #tpu.memory_space<vmem>>
    %dma_start3A_8 = arith.constant 0 : i32
    %dma_start3A_9 = tpu.memref_slice %arg5[%dma_start3A, %dma_start3A_8] : memref<128x200xi32, #tpu.memory_space<vmem>> -> memref<1x128xi32, #tpu.memory_space<vmem>>
    %dma_start3A_10 = tpu.memref_squeeze %dma_start3A_9 : memref<1x128xi32, #tpu.memory_space<vmem>> -> memref<128xi32, #tpu.memory_space<vmem>>
    %dma_start3A_11 = arith.constant 0 : i32
    %dma_start3A_12 = arith.constant 0 : i32
    %dma_start3A_13 = tpu.memref_slice %arg2[%dma_start3A_11, %dma_start3A_12] : memref<1000000x128xf32, #tpu.memory_space<hbm>> -> memref<1000000x128xf32, #tpu.memory_space<hbm>>
    tpu.enqueue_indirect_dma source(%dma_start3A_13 : memref<1000000x128xf32, #tpu.memory_space<hbm>>) target(%dma_start3A_7 : memref<128x128xf32, #tpu.memory_space<vmem>>) offsets(%dma_start3A_10 : memref<128xi32, #tpu.memory_space<vmem>>) semaphore(%arg7 : memref<!tpu.dma_semaphore, #tpu.memory_space<semaphore_mem>>)
    %dma_start3A_14 = arith.constant 0 : i32
    %dma_start3A_15 = arith.constant 0 : i32
    %dma_start3A_16 = arith.constant 128 : i32
    %dma_start3A_17 = arith.constant 0 : i32
    %dma_start3A_18 = tpu.memref_slice %arg6[%dma_start3A_15, %dma_start3A_16, %dma_start3A_17] : memref<4x200x128xf32, #tpu.memory_space<vmem>> -> memref<1x72x128xf32, #tpu.memory_space<vmem>>
    %dma_start3A_19 = tpu.memref_squeeze %dma_start3A_18 : memref<1x72x128xf32, #tpu.memory_space<vmem>> -> memref<72x128xf32, #tpu.memory_space<vmem>>
    %dma_start3A_20 = arith.constant 128 : i32
    %dma_start3A_21 = tpu.memref_slice %arg5[%dma_start3A_14, %dma_start3A_20] : memref<128x200xi32, #tpu.memory_space<vmem>> -> memref<1x72xi32, #tpu.memory_space<vmem>>
    %dma_start3A_22 = tpu.memref_squeeze %dma_start3A_21 : memref<1x72xi32, #tpu.memory_space<vmem>> -> memref<72xi32, #tpu.memory_space<vmem>>
    %dma_start3A_23 = arith.constant 0 : i32
    %dma_start3A_24 = arith.constant 0 : i32
    %dma_start3A_25 = tpu.memref_slice %arg2[%dma_start3A_23, %dma_start3A_24] : memref<1000000x128xf32, #tpu.memory_space<hbm>> -> memref<1000000x128xf32, #tpu.memory_space<hbm>>
    tpu.enqueue_indirect_dma source(%dma_start3A_25 : memref<1000000x128xf32, #tpu.memory_space<hbm>>) target(%dma_start3A_19 : memref<72x128xf32, #tpu.memory_space<vmem>>) offsets(%dma_start3A_22 : memref<72xi32, #tpu.memory_space<vmem>>) semaphore(%arg7 : memref<!tpu.dma_semaphore, #tpu.memory_space<semaphore_mem>>)
    %dma_start3A_26 = arith.constant 1 : i32
    %dma_start3A_27 = arith.constant 1 : i32
    %dma_start3A_28 = arith.constant 0 : i32
    %dma_start3A_29 = arith.constant 0 : i32
    %dma_start3A_30 = tpu.memref_slice %arg6[%dma_start3A_27, %dma_start3A_28, %dma_start3A_29] : memref<4x200x128xf32, #tpu.memory_space<vmem>> -> memref<1x128x128xf32, #tpu.memory_space<vmem>>
    %dma_start3A_31 = tpu.memref_squeeze %dma_start3A_30 : memref<1x128x128xf32, #tpu.memory_space<vmem>> -> memref<128x128xf32, #tpu.memory_space<vmem>>
    %dma_start3A_32 = arith.constant 0 : i32
    %dma_start3A_33 = tpu.memref_slice %arg5[%dma_start3A_26, %dma_start3A_32] : memref<128x200xi32, #tpu.memory_space<vmem>> -> memref<1x128xi32, #tpu.memory_space<vmem>>
    %dma_start3A_34 = tpu.memref_squeeze %dma_start3A_33 : memref<1x128xi32, #tpu.memory_space<vmem>> -> memref<128xi32, #tpu.memory_space<vmem>>
    %dma_start3A_35 = arith.constant 0 : i32
    %dma_start3A_36 = arith.constant 0 : i32
    %dma_start3A_37 = tpu.memref_slice %arg2[%dma_start3A_35, %dma_start3A_36] : memref<1000000x128xf32, #tpu.memory_space<hbm>> -> memref<1000000x128xf32, #tpu.memory_space<hbm>>
    tpu.enqueue_indirect_dma source(%dma_start3A_37 : memref<1000000x128xf32, #tpu.memory_space<hbm>>) target(%dma_start3A_31 : memref<128x128xf32, #tpu.memory_space<vmem>>) offsets(%dma_start3A_34 : memref<128xi32, #tpu.memory_space<vmem>>) semaphore(%arg7 : memref<!tpu.dma_semaphore, #tpu.memory_space<semaphore_mem>>)
    %dma_start3A_38 = arith.constant 1 : i32
    %dma_start3A_39 = arith.constant 1 : i32
    %dma_start3A_40 = arith.constant 128 : i32
    %dma_start3A_41 = arith.constant 0 : i32
    %dma_start3A_42 = tpu.memref_slice %arg6[%dma_start3A_39, %dma_start3A_40, %dma_start3A_41] : memref<4x200x128xf32, #tpu.memory_space<vmem>> -> memref<1x72x128xf32, #tpu.memory_space<vmem>>
    %dma_start3A_43 = tpu.memref_squeeze %dma_start3A_42 : memref<1x72x128xf32, #tpu.memory_space<vmem>> -> memref<72x128xf32, #tpu.memory_space<vmem>>
    %dma_start3A_44 = arith.constant 128 : i32
    %dma_start3A_45 = tpu.memref_slice %arg5[%dma_start3A_38, %dma_start3A_44] : memref<128x200xi32, #tpu.memory_space<vmem>> -> memref<1x72xi32, #tpu.memory_space<vmem>>
    %dma_start3A_46 = tpu.memref_squeeze %dma_start3A_45 : memref<1x72xi32, #tpu.memory_space<vmem>> -> memref<72xi32, #tpu.memory_space<vmem>>
    %dma_start3A_47 = arith.constant 0 : i32
    %dma_start3A_48 = arith.constant 0 : i32
    %dma_start3A_49 = tpu.memref_slice %arg2[%dma_start3A_47, %dma_start3A_48] : memref<1000000x128xf32, #tpu.memory_space<hbm>> -> memref<1000000x128xf32, #tpu.memory_space<hbm>>
    tpu.enqueue_indirect_dma source(%dma_start3A_49 : memref<1000000x128xf32, #tpu.memory_space<hbm>>) target(%dma_start3A_43 : memref<72x128xf32, #tpu.memory_space<vmem>>) offsets(%dma_start3A_46 : memref<72xi32, #tpu.memory_space<vmem>>) semaphore(%arg7 : memref<!tpu.dma_semaphore, #tpu.memory_space<semaphore_mem>>)
    %dma_start3A_50 = arith.constant 2 : i32
    %dma_start3A_51 = arith.constant 2 : i32
    %dma_start3A_52 = arith.constant 0 : i32
    %dma_start3A_53 = arith.constant 0 : i32
    %dma_start3A_54 = tpu.memref_slice %arg6[%dma_start3A_51, %dma_start3A_52, %dma_start3A_53] : memref<4x200x128xf32, #tpu.memory_space<vmem>> -> memref<1x128x128xf32, #tpu.memory_space<vmem>>
    %dma_start3A_55 = tpu.memref_squeeze %dma_start3A_54 : memref<1x128x128xf32, #tpu.memory_space<vmem>> -> memref<128x128xf32, #tpu.memory_space<vmem>>
    %dma_start3A_56 = arith.constant 0 : i32
    %dma_start3A_57 = tpu.memref_slice %arg5[%dma_start3A_50, %dma_start3A_56] : memref<128x200xi32, #tpu.memory_space<vmem>> -> memref<1x128xi32, #tpu.memory_space<vmem>>
    %dma_start3A_58 = tpu.memref_squeeze %dma_start3A_57 : memref<1x128xi32, #tpu.memory_space<vmem>> -> memref<128xi32, #tpu.memory_space<vmem>>
    %dma_start3A_59 = arith.constant 0 : i32
    %dma_start3A_60 = arith.constant 0 : i32
    %dma_start3A_61 = tpu.memref_slice %arg2[%dma_start3A_59, %dma_start3A_60] : memref<1000000x128xf32, #tpu.memory_space<hbm>> -> memref<1000000x128xf32, #tpu.memory_space<hbm>>
    tpu.enqueue_indirect_dma source(%dma_start3A_61 : memref<1000000x128xf32, #tpu.memory_space<hbm>>) target(%dma_start3A_55 : memref<128x128xf32, #tpu.memory_space<vmem>>) offsets(%dma_start3A_58 : memref<128xi32, #tpu.memory_space<vmem>>) semaphore(%arg7 : memref<!tpu.dma_semaphore, #tpu.memory_space<semaphore_mem>>)
    %dma_start3A_62 = arith.constant 2 : i32
    %dma_start3A_63 = arith.constant 2 : i32
    %dma_start3A_64 = arith.constant 128 : i32
    %dma_start3A_65 = arith.constant 0 : i32
    %dma_start3A_66 = tpu.memref_slice %arg6[%dma_start3A_63, %dma_start3A_64, %dma_start3A_65] : memref<4x200x128xf32, #tpu.memory_space<vmem>> -> memref<1x72x128xf32, #tpu.memory_space<vmem>>
    %dma_start3A_67 = tpu.memref_squeeze %dma_start3A_66 : memref<1x72x128xf32, #tpu.memory_space<vmem>> -> memref<72x128xf32, #tpu.memory_space<vmem>>
    %dma_start3A_68 = arith.constant 128 : i32
    %dma_start3A_69 = tpu.memref_slice %arg5[%dma_start3A_62, %dma_start3A_68] : memref<128x200xi32, #tpu.memory_space<vmem>> -> memref<1x72xi32, #tpu.memory_space<vmem>>
    %dma_start3A_70 = tpu.memref_squeeze %dma_start3A_69 : memref<1x72xi32, #tpu.memory_space<vmem>> -> memref<72xi32, #tpu.memory_space<vmem>>
    %dma_start3A_71 = arith.constant 0 : i32
    %dma_start3A_72 = arith.constant 0 : i32
    %dma_start3A_73 = tpu.memref_slice %arg2[%dma_start3A_71, %dma_start3A_72] : memref<1000000x128xf32, #tpu.memory_space<hbm>> -> memref<1000000x128xf32, #tpu.memory_space<hbm>>
    tpu.enqueue_indirect_dma source(%dma_start3A_73 : memref<1000000x128xf32, #tpu.memory_space<hbm>>) target(%dma_start3A_67 : memref<72x128xf32, #tpu.memory_space<vmem>>) offsets(%dma_start3A_70 : memref<72xi32, #tpu.memory_space<vmem>>) semaphore(%arg7 : memref<!tpu.dma_semaphore, #tpu.memory_space<semaphore_mem>>)
    %scan3A = arith.constant 0 : i32
    %scan3A_74 = arith.constant 0 : i32
    %scan3A_75 = arith.constant 128 : i32
    %scan3A_76 = arith.addi %scan3A_74, %scan3A_75 : i32
    %scan3A_77 = arith.constant 1 : i32
    scf.for %scan3A_154 = %scan3A_74 to %scan3A_76 step %scan3A_77  : i32 {
      %rem3A = arith.constant 4 : i32
      %rem3A_155 = arith.remsi %scan3A_154, %rem3A : i32
      %dma_wait3A_156 = arith.constant 0 : i32
      %dma_wait3A_157 = arith.constant 0 : i32
      %dma_wait3A_158 = tpu.memref_slice %arg6[%rem3A_155, %dma_wait3A_156, %dma_wait3A_157] : memref<4x200x128xf32, #tpu.memory_space<vmem>> -> memref<1x128x128xf32, #tpu.memory_space<vmem>>
      %dma_wait3A_159 = tpu.memref_squeeze %dma_wait3A_158 : memref<1x128x128xf32, #tpu.memory_space<vmem>> -> memref<128x128xf32, #tpu.memory_space<vmem>>
      %dma_wait3A_160 = arith.constant 0 : i32
      %dma_wait3A_161 = tpu.memref_slice %arg5[%scan3A_154, %dma_wait3A_160] : memref<128x200xi32, #tpu.memory_space<vmem>> -> memref<1x128xi32, #tpu.memory_space<vmem>>
      %dma_wait3A_162 = tpu.memref_squeeze %dma_wait3A_161 : memref<1x128xi32, #tpu.memory_space<vmem>> -> memref<128xi32, #tpu.memory_space<vmem>>
      %dma_wait3A_163 = arith.constant 0 : i32
      %dma_wait3A_164 = arith.constant 0 : i32
      %dma_wait3A_165 = tpu.memref_slice %arg2[%dma_wait3A_163, %dma_wait3A_164] : memref<1000000x128xf32, #tpu.memory_space<hbm>> -> memref<1000000x128xf32, #tpu.memory_space<hbm>>
      tpu.wait_indirect_dma semaphore(%arg7 : memref<!tpu.dma_semaphore, #tpu.memory_space<semaphore_mem>>) src(%dma_wait3A_165 : memref<1000000x128xf32, #tpu.memory_space<hbm>>) dst(%dma_wait3A_159 : memref<128x128xf32, #tpu.memory_space<vmem>>)
      %dma_wait3A_166 = arith.constant 128 : i32
      %dma_wait3A_167 = arith.constant 0 : i32
      %dma_wait3A_168 = tpu.memref_slice %arg6[%rem3A_155, %dma_wait3A_166, %dma_wait3A_167] : memref<4x200x128xf32, #tpu.memory_space<vmem>> -> memref<1x72x128xf32, #tpu.memory_space<vmem>>
      %dma_wait3A_169 = tpu.memref_squeeze %dma_wait3A_168 : memref<1x72x128xf32, #tpu.memory_space<vmem>> -> memref<72x128xf32, #tpu.memory_space<vmem>>
      %dma_wait3A_170 = arith.constant 128 : i32
      %dma_wait3A_171 = tpu.memref_slice %arg5[%scan3A_154, %dma_wait3A_170] : memref<128x200xi32, #tpu.memory_space<vmem>> -> memref<1x72xi32, #tpu.memory_space<vmem>>
      %dma_wait3A_172 = tpu.memref_squeeze %dma_wait3A_171 : memref<1x72xi32, #tpu.memory_space<vmem>> -> memref<72xi32, #tpu.memory_space<vmem>>
      %dma_wait3A_173 = arith.constant 0 : i32
      %dma_wait3A_174 = arith.constant 0 : i32
      %dma_wait3A_175 = tpu.memref_slice %arg2[%dma_wait3A_173, %dma_wait3A_174] : memref<1000000x128xf32, #tpu.memory_space<hbm>> -> memref<1000000x128xf32, #tpu.memory_space<hbm>>
      tpu.wait_indirect_dma semaphore(%arg7 : memref<!tpu.dma_semaphore, #tpu.memory_space<semaphore_mem>>) src(%dma_wait3A_175 : memref<1000000x128xf32, #tpu.memory_space<hbm>>) dst(%dma_wait3A_169 : memref<72x128xf32, #tpu.memory_space<vmem>>)
      %add3A_176 = arith.addi %mul3A_2, %scan3A_154 : i32
      %dma_start3A_177 = arith.constant 0 : i32
      %dma_start3A_178 = arith.constant 0 : i32
      %dma_start3A_179 = tpu.memref_slice %arg6[%rem3A_155, %dma_start3A_177, %dma_start3A_178] : memref<4x200x128xf32, #tpu.memory_space<vmem>> -> memref<1x200x64xf32, #tpu.memory_space<vmem>>
      %dma_start3A_180 = tpu.memref_squeeze %dma_start3A_179 : memref<1x200x64xf32, #tpu.memory_space<vmem>> -> memref<200x64xf32, #tpu.memory_space<vmem>>
      %dma_start3A_181 = arith.constant 0 : i32
      %dma_start3A_182 = arith.constant 0 : i32
      %dma_start3A_183 = tpu.memref_slice %arg4[%add3A_176, %dma_start3A_181, %dma_start3A_182] : memref<4096x200x128xf32, #tpu.memory_space<hbm>> -> memref<1x200x64xf32, #tpu.memory_space<hbm>>
      %dma_start3A_184 = tpu.memref_squeeze %dma_start3A_183 : memref<1x200x64xf32, #tpu.memory_space<hbm>> -> memref<200x64xf32, #tpu.memory_space<hbm>>
      %dma_start3A_185 = arith.constant 0 : i32
      %dma_start3A_186 = arith.constant 0 : i32
      %dma_start3A_187 = tpu.memref_slice %arg4[%add3A_176, %dma_start3A_185, %dma_start3A_186] : memref<4096x200x128xf32, #tpu.memory_space<hbm>> -> memref<1x200x64xf32, #tpu.memory_space<hbm>>
      %dma_start3A_188 = tpu.memref_squeeze %dma_start3A_187 : memref<1x200x64xf32, #tpu.memory_space<hbm>> -> memref<200x64xf32, #tpu.memory_space<hbm>>
      %dma_start3A_189 = arith.constant 0 : i32
      %dma_start3A_190 = arith.constant 0 : i32
      %dma_start3A_191 = tpu.memref_slice %arg6[%rem3A_155, %dma_start3A_189, %dma_start3A_190] : memref<4x200x128xf32, #tpu.memory_space<vmem>> -> memref<1x200x64xf32, #tpu.memory_space<vmem>>
      %dma_start3A_192 = tpu.memref_squeeze %dma_start3A_191 : memref<1x200x64xf32, #tpu.memory_space<vmem>> -> memref<200x64xf32, #tpu.memory_space<vmem>>
      tpu.enqueue_dma source(%dma_start3A_192 : memref<200x64xf32, #tpu.memory_space<vmem>>) target(%dma_start3A_188 : memref<200x64xf32, #tpu.memory_space<hbm>>) target_semaphore(%arg8 : memref<!tpu.dma_semaphore, #tpu.memory_space<semaphore_mem>>)
      %add3A_193 = arith.constant 3 : i32
      %add3A_194 = arith.addi %scan3A_154, %add3A_193 : i32
      %rem3A_195 = arith.constant 4 : i32
      %rem3A_196 = arith.remsi %add3A_194, %rem3A_195 : i32
      %lt3A = arith.constant 128 : i32
      %lt3A_197 = arith.cmpi slt, %add3A_194, %lt3A : i32
      %convert_element_type3A = arith.extui %lt3A_197 : i1 to i32
      %cond3A = arith.constant 0 : i32
      %cond3A_198 = arith.cmpi ne, %convert_element_type3A, %cond3A : i32
      scf.if %cond3A_198 {
        %ge3A = arith.constant 1 : i32
        %ge3A_199 = arith.cmpi sge, %scan3A_154, %ge3A : i32
        %convert_element_type3A_200 = arith.extui %ge3A_199 : i1 to i32
        %cond3A_201 = arith.constant 0 : i32
        %cond3A_202 = arith.cmpi ne, %convert_element_type3A_200, %cond3A_201 : i32
        scf.if %cond3A_202 {
          %sub3A = arith.constant 1 : i32
          %sub3A_223 = arith.subi %scan3A_154, %sub3A : i32
          %add3A_224 = arith.addi %mul3A_2, %sub3A_223 : i32
          %dma_wait3A_225 = arith.constant 0 : i32
          %dma_wait3A_226 = arith.constant 0 : i32
          %dma_wait3A_227 = tpu.memref_slice %arg6[%rem3A_196, %dma_wait3A_225, %dma_wait3A_226] : memref<4x200x128xf32, #tpu.memory_space<vmem>> -> memref<1x200x64xf32, #tpu.memory_space<vmem>>
          %dma_wait3A_228 = tpu.memref_squeeze %dma_wait3A_227 : memref<1x200x64xf32, #tpu.memory_space<vmem>> -> memref<200x64xf32, #tpu.memory_space<vmem>>
          %dma_wait3A_229 = arith.constant 0 : i32
          %dma_wait3A_230 = arith.constant 0 : i32
          %dma_wait3A_231 = tpu.memref_slice %arg4[%add3A_224, %dma_wait3A_229, %dma_wait3A_230] : memref<4096x200x128xf32, #tpu.memory_space<hbm>> -> memref<1x200x64xf32, #tpu.memory_space<hbm>>
          %dma_wait3A_232 = tpu.memref_squeeze %dma_wait3A_231 : memref<1x200x64xf32, #tpu.memory_space<hbm>> -> memref<200x64xf32, #tpu.memory_space<hbm>>
          %dma_wait3A_233 = arith.constant 0 : i32
          %dma_wait3A_234 = arith.constant 0 : i32
          %dma_wait3A_235 = tpu.memref_slice %arg4[%add3A_224, %dma_wait3A_233, %dma_wait3A_234] : memref<4096x200x128xf32, #tpu.memory_space<hbm>> -> memref<1x200x64xf32, #tpu.memory_space<hbm>>
          %dma_wait3A_236 = tpu.memref_squeeze %dma_wait3A_235 : memref<1x200x64xf32, #tpu.memory_space<hbm>> -> memref<200x64xf32, #tpu.memory_space<hbm>>
          %dma_wait3A_237 = arith.constant 0 : i32
          %dma_wait3A_238 = arith.constant 0 : i32
          %dma_wait3A_239 = tpu.memref_slice %arg6[%rem3A_196, %dma_wait3A_237, %dma_wait3A_238] : memref<4x200x128xf32, #tpu.memory_space<vmem>> -> memref<1x200x64xf32, #tpu.memory_space<vmem>>
          %dma_wait3A_240 = tpu.memref_squeeze %dma_wait3A_239 : memref<1x200x64xf32, #tpu.memory_space<vmem>> -> memref<200x64xf32, #tpu.memory_space<vmem>>
          tpu.wait_dma2 semaphore(%arg8 : memref<!tpu.dma_semaphore, #tpu.memory_space<semaphore_mem>>) src(%dma_wait3A_240 : memref<200x64xf32, #tpu.memory_space<vmem>>) dst(%dma_wait3A_236 : memref<200x64xf32, #tpu.memory_space<hbm>>)
        } else {
        }
        %dma_start3A_203 = arith.constant 0 : i32
        %dma_start3A_204 = arith.constant 0 : i32
        %dma_start3A_205 = tpu.memref_slice %arg6[%rem3A_196, %dma_start3A_203, %dma_start3A_204] : memref<4x200x128xf32, #tpu.memory_space<vmem>> -> memref<1x128x128xf32, #tpu.memory_space<vmem>>
        %dma_start3A_206 = tpu.memref_squeeze %dma_start3A_205 : memref<1x128x128xf32, #tpu.memory_space<vmem>> -> memref<128x128xf32, #tpu.memory_space<vmem>>
        %dma_start3A_207 = arith.constant 0 : i32
        %dma_start3A_208 = tpu.memref_slice %arg5[%add3A_194, %dma_start3A_207] : memref<128x200xi32, #tpu.memory_space<vmem>> -> memref<1x128xi32, #tpu.memory_space<vmem>>
        %dma_start3A_209 = tpu.memref_squeeze %dma_start3A_208 : memref<1x128xi32, #tpu.memory_space<vmem>> -> memref<128xi32, #tpu.memory_space<vmem>>
        %dma_start3A_210 = arith.constant 0 : i32
        %dma_start3A_211 = arith.constant 0 : i32
        %dma_start3A_212 = tpu.memref_slice %arg2[%dma_start3A_210, %dma_start3A_211] : memref<1000000x128xf32, #tpu.memory_space<hbm>> -> memref<1000000x128xf32, #tpu.memory_space<hbm>>
        tpu.enqueue_indirect_dma source(%dma_start3A_212 : memref<1000000x128xf32, #tpu.memory_space<hbm>>) target(%dma_start3A_206 : memref<128x128xf32, #tpu.memory_space<vmem>>) offsets(%dma_start3A_209 : memref<128xi32, #tpu.memory_space<vmem>>) semaphore(%arg7 : memref<!tpu.dma_semaphore, #tpu.memory_space<semaphore_mem>>)
        %dma_start3A_213 = arith.constant 128 : i32
        %dma_start3A_214 = arith.constant 0 : i32
        %dma_start3A_215 = tpu.memref_slice %arg6[%rem3A_196, %dma_start3A_213, %dma_start3A_214] : memref<4x200x128xf32, #tpu.memory_space<vmem>> -> memref<1x72x128xf32, #tpu.memory_space<vmem>>
        %dma_start3A_216 = tpu.memref_squeeze %dma_start3A_215 : memref<1x72x128xf32, #tpu.memory_space<vmem>> -> memref<72x128xf32, #tpu.memory_space<vmem>>
        %dma_start3A_217 = arith.constant 128 : i32
        %dma_start3A_218 = tpu.memref_slice %arg5[%add3A_194, %dma_start3A_217] : memref<128x200xi32, #tpu.memory_space<vmem>> -> memref<1x72xi32, #tpu.memory_space<vmem>>
        %dma_start3A_219 = tpu.memref_squeeze %dma_start3A_218 : memref<1x72xi32, #tpu.memory_space<vmem>> -> memref<72xi32, #tpu.memory_space<vmem>>
        %dma_start3A_220 = arith.constant 0 : i32
        %dma_start3A_221 = arith.constant 0 : i32
        %dma_start3A_222 = tpu.memref_slice %arg2[%dma_start3A_220, %dma_start3A_221] : memref<1000000x128xf32, #tpu.memory_space<hbm>> -> memref<1000000x128xf32, #tpu.memory_space<hbm>>
        tpu.enqueue_indirect_dma source(%dma_start3A_222 : memref<1000000x128xf32, #tpu.memory_space<hbm>>) target(%dma_start3A_216 : memref<72x128xf32, #tpu.memory_space<vmem>>) offsets(%dma_start3A_219 : memref<72xi32, #tpu.memory_space<vmem>>) semaphore(%arg7 : memref<!tpu.dma_semaphore, #tpu.memory_space<semaphore_mem>>)
      } else {
      }
    }
    %scan3A_78 = arith.constant 128 : i32
    %add3A_79 = arith.constant 124 : i32
    %add3A_80 = arith.addi %mul3A_2, %add3A_79 : i32
    %dma_wait3A = arith.constant 0 : i32
    %dma_wait3A_81 = arith.constant 0 : i32
    %dma_wait3A_82 = arith.constant 0 : i32
    %dma_wait3A_83 = tpu.memref_slice %arg6[%dma_wait3A, %dma_wait3A_81, %dma_wait3A_82] : memref<4x200x128xf32, #tpu.memory_space<vmem>> -> memref<1x200x64xf32, #tpu.memory_space<vmem>>
    %dma_wait3A_84 = tpu.memref_squeeze %dma_wait3A_83 : memref<1x200x64xf32, #tpu.memory_space<vmem>> -> memref<200x64xf32, #tpu.memory_space<vmem>>
    %dma_wait3A_85 = arith.constant 0 : i32
    %dma_wait3A_86 = arith.constant 0 : i32
    %dma_wait3A_87 = tpu.memref_slice %arg4[%add3A_80, %dma_wait3A_85, %dma_wait3A_86] : memref<4096x200x128xf32, #tpu.memory_space<hbm>> -> memref<1x200x64xf32, #tpu.memory_space<hbm>>
    %dma_wait3A_88 = tpu.memref_squeeze %dma_wait3A_87 : memref<1x200x64xf32, #tpu.memory_space<hbm>> -> memref<200x64xf32, #tpu.memory_space<hbm>>
    %dma_wait3A_89 = arith.constant 0 : i32
    %dma_wait3A_90 = arith.constant 0 : i32
    %dma_wait3A_91 = tpu.memref_slice %arg4[%add3A_80, %dma_wait3A_89, %dma_wait3A_90] : memref<4096x200x128xf32, #tpu.memory_space<hbm>> -> memref<1x200x64xf32, #tpu.memory_space<hbm>>
    %dma_wait3A_92 = tpu.memref_squeeze %dma_wait3A_91 : memref<1x200x64xf32, #tpu.memory_space<hbm>> -> memref<200x64xf32, #tpu.memory_space<hbm>>
    %dma_wait3A_93 = arith.constant 0 : i32
    %dma_wait3A_94 = arith.constant 0 : i32
    %dma_wait3A_95 = tpu.memref_slice %arg6[%dma_wait3A, %dma_wait3A_93, %dma_wait3A_94] : memref<4x200x128xf32, #tpu.memory_space<vmem>> -> memref<1x200x64xf32, #tpu.memory_space<vmem>>
    %dma_wait3A_96 = tpu.memref_squeeze %dma_wait3A_95 : memref<1x200x64xf32, #tpu.memory_space<vmem>> -> memref<200x64xf32, #tpu.memory_space<vmem>>
    tpu.wait_dma2 semaphore(%arg8 : memref<!tpu.dma_semaphore, #tpu.memory_space<semaphore_mem>>) src(%dma_wait3A_96 : memref<200x64xf32, #tpu.memory_space<vmem>>) dst(%dma_wait3A_92 : memref<200x64xf32, #tpu.memory_space<hbm>>)
    %add3A_97 = arith.constant 125 : i32
    %add3A_98 = arith.addi %mul3A_2, %add3A_97 : i32
    %dma_wait3A_99 = arith.constant 1 : i32
    %dma_wait3A_100 = arith.constant 0 : i32
    %dma_wait3A_101 = arith.constant 0 : i32
    %dma_wait3A_102 = tpu.memref_slice %arg6[%dma_wait3A_99, %dma_wait3A_100, %dma_wait3A_101] : memref<4x200x128xf32, #tpu.memory_space<vmem>> -> memref<1x200x64xf32, #tpu.memory_space<vmem>>
    %dma_wait3A_103 = tpu.memref_squeeze %dma_wait3A_102 : memref<1x200x64xf32, #tpu.memory_space<vmem>> -> memref<200x64xf32, #tpu.memory_space<vmem>>
    %dma_wait3A_104 = arith.constant 0 : i32
    %dma_wait3A_105 = arith.constant 0 : i32
    %dma_wait3A_106 = tpu.memref_slice %arg4[%add3A_98, %dma_wait3A_104, %dma_wait3A_105] : memref<4096x200x128xf32, #tpu.memory_space<hbm>> -> memref<1x200x64xf32, #tpu.memory_space<hbm>>
    %dma_wait3A_107 = tpu.memref_squeeze %dma_wait3A_106 : memref<1x200x64xf32, #tpu.memory_space<hbm>> -> memref<200x64xf32, #tpu.memory_space<hbm>>
    %dma_wait3A_108 = arith.constant 0 : i32
    %dma_wait3A_109 = arith.constant 0 : i32
    %dma_wait3A_110 = tpu.memref_slice %arg4[%add3A_98, %dma_wait3A_108, %dma_wait3A_109] : memref<4096x200x128xf32, #tpu.memory_space<hbm>> -> memref<1x200x64xf32, #tpu.memory_space<hbm>>
    %dma_wait3A_111 = tpu.memref_squeeze %dma_wait3A_110 : memref<1x200x64xf32, #tpu.memory_space<hbm>> -> memref<200x64xf32, #tpu.memory_space<hbm>>
    %dma_wait3A_112 = arith.constant 0 : i32
    %dma_wait3A_113 = arith.constant 0 : i32
    %dma_wait3A_114 = tpu.memref_slice %arg6[%dma_wait3A_99, %dma_wait3A_112, %dma_wait3A_113] : memref<4x200x128xf32, #tpu.memory_space<vmem>> -> memref<1x200x64xf32, #tpu.memory_space<vmem>>
    %dma_wait3A_115 = tpu.memref_squeeze %dma_wait3A_114 : memref<1x200x64xf32, #tpu.memory_space<vmem>> -> memref<200x64xf32, #tpu.memory_space<vmem>>
    tpu.wait_dma2 semaphore(%arg8 : memref<!tpu.dma_semaphore, #tpu.memory_space<semaphore_mem>>) src(%dma_wait3A_115 : memref<200x64xf32, #tpu.memory_space<vmem>>) dst(%dma_wait3A_111 : memref<200x64xf32, #tpu.memory_space<hbm>>)
    %add3A_116 = arith.constant 126 : i32
    %add3A_117 = arith.addi %mul3A_2, %add3A_116 : i32
    %dma_wait3A_118 = arith.constant 2 : i32
    %dma_wait3A_119 = arith.constant 0 : i32
    %dma_wait3A_120 = arith.constant 0 : i32
    %dma_wait3A_121 = tpu.memref_slice %arg6[%dma_wait3A_118, %dma_wait3A_119, %dma_wait3A_120] : memref<4x200x128xf32, #tpu.memory_space<vmem>> -> memref<1x200x64xf32, #tpu.memory_space<vmem>>
    %dma_wait3A_122 = tpu.memref_squeeze %dma_wait3A_121 : memref<1x200x64xf32, #tpu.memory_space<vmem>> -> memref<200x64xf32, #tpu.memory_space<vmem>>
    %dma_wait3A_123 = arith.constant 0 : i32
    %dma_wait3A_124 = arith.constant 0 : i32
    %dma_wait3A_125 = tpu.memref_slice %arg4[%add3A_117, %dma_wait3A_123, %dma_wait3A_124] : memref<4096x200x128xf32, #tpu.memory_space<hbm>> -> memref<1x200x64xf32, #tpu.memory_space<hbm>>
    %dma_wait3A_126 = tpu.memref_squeeze %dma_wait3A_125 : memref<1x200x64xf32, #tpu.memory_space<hbm>> -> memref<200x64xf32, #tpu.memory_space<hbm>>
    %dma_wait3A_127 = arith.constant 0 : i32
    %dma_wait3A_128 = arith.constant 0 : i32
    %dma_wait3A_129 = tpu.memref_slice %arg4[%add3A_117, %dma_wait3A_127, %dma_wait3A_128] : memref<4096x200x128xf32, #tpu.memory_space<hbm>> -> memref<1x200x64xf32, #tpu.memory_space<hbm>>
    %dma_wait3A_130 = tpu.memref_squeeze %dma_wait3A_129 : memref<1x200x64xf32, #tpu.memory_space<hbm>> -> memref<200x64xf32, #tpu.memory_space<hbm>>
    %dma_wait3A_131 = arith.constant 0 : i32
    %dma_wait3A_132 = arith.constant 0 : i32
    %dma_wait3A_133 = tpu.memref_slice %arg6[%dma_wait3A_118, %dma_wait3A_131, %dma_wait3A_132] : memref<4x200x128xf32, #tpu.memory_space<vmem>> -> memref<1x200x64xf32, #tpu.memory_space<vmem>>
    %dma_wait3A_134 = tpu.memref_squeeze %dma_wait3A_133 : memref<1x200x64xf32, #tpu.memory_space<vmem>> -> memref<200x64xf32, #tpu.memory_space<vmem>>
    tpu.wait_dma2 semaphore(%arg8 : memref<!tpu.dma_semaphore, #tpu.memory_space<semaphore_mem>>) src(%dma_wait3A_134 : memref<200x64xf32, #tpu.memory_space<vmem>>) dst(%dma_wait3A_130 : memref<200x64xf32, #tpu.memory_space<hbm>>)
    %add3A_135 = arith.constant 127 : i32
    %add3A_136 = arith.addi %mul3A_2, %add3A_135 : i32
    %dma_wait3A_137 = arith.constant 3 : i32
    %dma_wait3A_138 = arith.constant 0 : i32
    %dma_wait3A_139 = arith.constant 0 : i32
    %dma_wait3A_140 = tpu.memref_slice %arg6[%dma_wait3A_137, %dma_wait3A_138, %dma_wait3A_139] : memref<4x200x128xf32, #tpu.memory_space<vmem>> -> memref<1x200x64xf32, #tpu.memory_space<vmem>>
    %dma_wait3A_141 = tpu.memref_squeeze %dma_wait3A_140 : memref<1x200x64xf32, #tpu.memory_space<vmem>> -> memref<200x64xf32, #tpu.memory_space<vmem>>
    %dma_wait3A_142 = arith.constant 0 : i32
    %dma_wait3A_143 = arith.constant 0 : i32
    %dma_wait3A_144 = tpu.memref_slice %arg4[%add3A_136, %dma_wait3A_142, %dma_wait3A_143] : memref<4096x200x128xf32, #tpu.memory_space<hbm>> -> memref<1x200x64xf32, #tpu.memory_space<hbm>>
    %dma_wait3A_145 = tpu.memref_squeeze %dma_wait3A_144 : memref<1x200x64xf32, #tpu.memory_space<hbm>> -> memref<200x64xf32, #tpu.memory_space<hbm>>
    %dma_wait3A_146 = arith.constant 0 : i32
    %dma_wait3A_147 = arith.constant 0 : i32
    %dma_wait3A_148 = tpu.memref_slice %arg4[%add3A_136, %dma_wait3A_146, %dma_wait3A_147] : memref<4096x200x128xf32, #tpu.memory_space<hbm>> -> memref<1x200x64xf32, #tpu.memory_space<hbm>>
    %dma_wait3A_149 = tpu.memref_squeeze %dma_wait3A_148 : memref<1x200x64xf32, #tpu.memory_space<hbm>> -> memref<200x64xf32, #tpu.memory_space<hbm>>
    %dma_wait3A_150 = arith.constant 0 : i32
    %dma_wait3A_151 = arith.constant 0 : i32
    %dma_wait3A_152 = tpu.memref_slice %arg6[%dma_wait3A_137, %dma_wait3A_150, %dma_wait3A_151] : memref<4x200x128xf32, #tpu.memory_space<vmem>> -> memref<1x200x64xf32, #tpu.memory_space<vmem>>
    %dma_wait3A_153 = tpu.memref_squeeze %dma_wait3A_152 : memref<1x200x64xf32, #tpu.memory_space<vmem>> -> memref<200x64xf32, #tpu.memory_space<vmem>>
    tpu.wait_dma2 semaphore(%arg8 : memref<!tpu.dma_semaphore, #tpu.memory_space<semaphore_mem>>) src(%dma_wait3A_153 : memref<200x64xf32, #tpu.memory_space<vmem>>) dst(%dma_wait3A_149 : memref<200x64xf32, #tpu.memory_space<hbm>>)
    return
  }
}

</mosaic_0001>

<sc_bundles>
// kernel: _embed_lookup.3.cloned.1.call-start
scs
__scs_entry_jumppad:
0x0: {  	(pc) =	sbr.rel $0x88, $3  }
0x1: {  	(tag) =	ssettag $0x0;
	lr =	simm.s32 $0x1  }
0x2: {  	[smem:$0x3F9F] =	sst lr;
	_ =	strace $0xD0000000  }
0x3: {  	_ = 	snop  }
0x4: {  	_ = 	snop  }
0x5: {  	_ = 	snop  }
0x6: {  	_ = 	snop  }
0x7: {  	_ = 	snop  }
__scs_overlays_trampoline_lowered:
0x8: {  	[smem:$0x3FAE] =	sst s0  }
0x9: {  	[smem:$0x3FAF] =	sst s1  }
0xa: {  	[smem:$0x3FB0] =	sst s2  }
0xb: {  	[smem:$0x3FB1] =	sst s3  }
0xc: {  	[smem:$0x3FB2] =	sst s4  }
0xd: {  	[smem:$0x3FB3] =	sst s5  }
0xe: {  	[smem:$0x3FB4] =	sst s6  }
0xf: {  	[smem:$0x3FB5] =	sst s7  }
0x10: {  	[smem:$0x3FB6] =	sst s8  }
0x11: {  	[smem:$0x3FB7] =	sst s9;
	s0 =	simm.s32 @!p0 $0x0  }
0x12: {  	s1 =	sld [smem:$0x3F9D];
	s0 =	simm.s32 @p0 $0x1  }
0x13: {  	[smem:$0x3FB8] =	sst s0;
	s0 =	simm.s32 @!p1 $0x0  }
0x14: {  	s2 =	sld [smem:$0x3F9C];
	s0 =	simm.s32 @p1 $0x1  }
0x15: {  	[smem:$0x3FB9] =	sst s0;
	s0 =	simm.s32 @!p2 $0x0  }
0x16: {  	s3 =	sld [smem:$0x3FDB];
	s0 =	simm.s32 @p2 $0x1  }
0x17: {  	s4 =	simm.s32 $0x1BF5;
	[smem:$0x3FBB] =	sst s0  }
0x18: {  	s0 =	sld [smem:$0x3F9E];
	_ =	swait.ge [sflag:s4], $0x0  }
0x19: {  	s7 =	sld [smem:$0x3F9F]  }
0x1a: {  	s8 =	sadd.s32 $0xFFFFE003, lr  }
0x1b: {  	s9 =	sadd.s32 $0xFFFFFEF7, lr;
	s5 =	simm.s32 $0xFFFFFFFF;
	p2 =	slt.u32 s8, $0xFFFFF086  }
0x1c: {  	p1 =	slt.u32 s9, $0xF7A;
	s5 =	simm.s32 @!p2 $0x0  }
0x1d: {  	s5 =	simm.s32 @p1 $0x1;
	p0 =	seq.s32 s7, s2  }
0x1e: {  	s7 =	smul.u32 @!p0 $0xF7A, s2;
	p2 =	seq.s32 @!p0 s5, $0x0  }
0x1f: {  	s9 =	smul.u32 $0xF7A, s1;
	s8 =	simm.s32 @!p0 $0x1BF5;
	p2 =	por !p2, p0  }
0x20: {  	[sflag:s8] =	ssyncset.s32 @!p0 $0xFFFFF086;
	s6 =	sadd.s32 @!p0 s3, s7;
	s7 =	simm.s32 @!p0 $0x108  }
0x21: {  	s3 =	sadd.s32 s3, s9;
	s6 =	sadd.s32 @!p0 $0x88, s6;
	s7 =	simm.s32 @p2 $0x1082  }
0x22: {  	[simem:s7], [sflag:s8] =	dma.local @!p0 [hbm:s6], $0xF7A  }
0x23: {  	s9 =	sor.u32 $0xD0000000, s2;
	s6 =	simm.s32 $0x108;
	_ =	swait.ge @!p0 [sflag:s8], $0x0  }
0x24: {  	s3 =	sadd.s32 $0x88, s3;
	s6 =	simm.s32 @!p1 $0x1082;
	[sflag:s4] =	ssyncset.s32 $0xFFFFF086  }
0x25: {  	[simem:s6], [sflag:s4] =	dma.local [hbm:s3], $0xF7A  }
0x26: {  	[smem:$0x3F9F] =	sst s1;
	(tag) =	ssettag s2;
	_ =	strace s9  }
0x27: {  	s1 =	sld [smem:$0x3FAF]  }
0x28: {  	s2 =	sld [smem:$0x3FB0]  }
0x29: {  	s4 =	sld [smem:$0x3FB2]  }
0x2a: {  	p0 =	seq.s32 s5, $0x0;
	s5 =	sld [smem:$0x3FB3]  }
0x2b: {  	s6 =	sld [smem:$0x3FB4]  }
0x2c: {  	s7 =	sld [smem:$0x3FB5]  }
0x2d: {  	s3 =	simm.s32 $0x108;
	s8 =	sld [smem:$0x3FB6]  }
0x2e: {  	s3 =	simm.s32 @!p0 $0x1082;
	s9 =	sld [smem:$0x3FB7]  }
0x2f: {  	lr =	sadd.s32 s0, s3;
	s0 =	sld [smem:$0x3FAE]  }
0x30: {  	s3 =	sld [smem:$0x3FB1]  }
0x31: {  	[smem:$0x3FBA] =	sst s10  }
0x32: {  	s10 =	sld [smem:$0x3FB8];
	_ =	sdelay $0x3  }
0x33: {  	p0 =	seq.s32 s10, $0x1;
	s10 =	sld [smem:$0x3FBA];
	_ =	sdelay $0x3  }
0x34: {  	[smem:$0x3FBA] =	sst s10  }
0x35: {  	s10 =	sld [smem:$0x3FB9];
	_ =	sdelay $0x3  }
0x36: {  	p1 =	seq.s32 s10, $0x1;
	s10 =	sld [smem:$0x3FBA];
	_ =	sdelay $0x3  }
0x37: {  	[smem:$0x3FBA] =	sst s10  }
0x38: {  	s10 =	sld [smem:$0x3FBB]  }
0x39: {  	_ = 	snop;
	(pc) =	sbr.ind lr, $3  }
0x3a: {  	_ = 	snop  }
0x3b: {  	_ = 	snop  }
0x3c: {  	p2 =	seq.s32 s10, $0x1;
	s10 =	sld [smem:$0x3FBA]  }
0x3d: {  	_ =	shalt  }
0x3e: {  	_ =	shalt  }
0x3f: {  	_ =	shalt  }
0x40: {  	_ =	shalt  }
0x41: {  	_ =	shalt  }
0x42: {  	_ =	shalt  }
0x43: {  	_ =	shalt  }
0x44: {  	_ =	shalt  }
0x45: {  	_ =	shalt  }
0x46: {  	_ =	shalt  }
0x47: {  	_ =	shalt  }
0x48: {  	_ =	shalt  }
0x49: {  	_ =	shalt  }
0x4a: {  	_ =	shalt  }
0x4b: {  	_ =	shalt  }
0x4c: {  	_ =	shalt  }
0x4d: {  	_ =	shalt  }
0x4e: {  	_ =	shalt  }
0x4f: {  	_ =	shalt  }
0x50: {  	_ =	shalt  }
0x51: {  	_ =	shalt  }
0x52: {  	_ =	shalt  }
0x53: {  	_ =	shalt  }
0x54: {  	_ =	shalt  }
0x55: {  	_ =	shalt  }
0x56: {  	_ =	shalt  }
0x57: {  	_ =	shalt  }
0x58: {  	_ =	shalt  }
0x59: {  	_ =	shalt  }
0x5a: {  	_ =	shalt  }
0x5b: {  	_ =	shalt  }
0x5c: {  	_ =	shalt  }
0x5d: {  	_ =	shalt  }
0x5e: {  	_ =	shalt  }
0x5f: {  	_ =	shalt  }
0x60: {  	_ =	shalt  }
0x61: {  	_ =	shalt  }
0x62: {  	_ =	shalt  }
0x63: {  	_ =	shalt  }
0x64: {  	_ =	shalt  }
0x65: {  	_ =	shalt  }
0x66: {  	_ =	shalt  }
0x67: {  	_ =	shalt  }
0x68: {  	_ =	shalt  }
0x69: {  	_ =	shalt  }
0x6a: {  	_ =	shalt  }
0x6b: {  	_ =	shalt  }
0x6c: {  	_ =	shalt  }
0x6d: {  	_ =	shalt  }
0x6e: {  	_ =	shalt  }
0x6f: {  	_ =	shalt  }
0x70: {  	_ =	shalt  }
0x71: {  	_ =	shalt  }
0x72: {  	_ =	shalt  }
0x73: {  	_ =	shalt  }
0x74: {  	_ =	shalt  }
0x75: {  	_ =	shalt  }
0x76: {  	_ =	shalt  }
0x77: {  	_ =	shalt  }
0x78: {  	_ =	shalt  }
0x79: {  	_ =	shalt  }
0x7a: {  	_ =	shalt  }
0x7b: {  	_ =	shalt  }
0x7c: {  	_ =	shalt  }
0x7d: {  	_ =	shalt  }
0x7e: {  	_ =	shalt  }
0x7f: {  	_ =	shalt  }
0x80: {  	_ =	shalt  }
0x81: {  	_ =	shalt  }
0x82: {  	_ =	shalt  }
0x83: {  	_ =	shalt  }
0x84: {  	_ =	shalt  }
0x85: {  	_ =	shalt  }
0x86: {  	_ =	shalt  }
0x87: {  	_ =	shalt  }
.Lfunc_end0:
.L_simem_size_0:
called_computation_lowered:
.L_overlay_start_0:
0x88: {  	s2 =	sld [smem:$0x3FD9]  }
0x89: {  	s3 =	sld [smem:$0x3FFE];
	_ =	sdelay $0x1  }
0x8a: {  	s1 =	srdreg.scid  }
0x8b: {  	s0 =	sand.u32 $0x1, s1  }
0x8c: {  	s17 =	sshll.u32 s0, $0xA;
	s2 =	sadd.s32 s3, s2  }
0x8d: {  	s2 =	sadd.s32 s2, s17  }
0x8e: {  	[smem:$0x3FC6] =	sst s2  }
0x8f: {  	_ = 	snop  }
0x90: {  	s2 =	sld [smem:$0x3FC9]  }
0x91: {  	s18 =	sld [smem:$0x3FD0];
	(tm) =	ssettm $0x1  }
0x92: {  	s4 =	sld [smem:$0x3FFB];
	_ =	sdelay $0x3  }
0x93: {  	_ =	strace s4  }
0x94: {  	s4 =	sld [smem:$0x3FFC];
	_ =	sdelay $0x3  }
0x95: {  	_ =	strace s4  }
0x96: {  	s4 =	sld [smem:$0x3FFD];
	_ =	sdelay $0x3  }
0x97: {  	_ =	strace s4  }
0x98: {  	_ =	strace $0x8FFFFFFF  }
0x99: {  	s19 =	sld [smem:$0x3FDB];
	_ =	sdelay $0x1  }
0x9a: {  	s5 =	simm.s32 $_scs_section_size  }
0x9b: {  	s6 =	simm.s32 $_size__tile_overlayer_lowered;
	s7 =	simm.s32 $_tile_overlayer_lowered  }
0x9c: {  	s22 =	simm.s32 $0x1BFF;
	s21 =	sshll.u32 s7, $0x1;
	s4 =	sadd.s32 s5, s19  }
0x9d: {  	s8 =	simm.s32 $0x0;
	s20 =	sshll.u32 s6, $0x1;
	s6 =	sadd.s32 s21, s4  }
0x9e: {  	[timem:s8], [sflag:s22] =	dma.local [hbm:s6], s20  }
0x9f: {  	_ =	swait.ge [sflag:s22], s20  }
0xa0: {  	s5 =	ssub.s32 $0x0, s20;
	[sflag:s22] =	ssyncset.done $0x0  }
0xa1: {  	[sflag:s22] =	ssyncadd.s32 s5;
	_ =	sdelay $0x1  }
0xa2: {  	s23 =	simm.s32 $0x1B8B  }
0xa3: {  	_ =	swait.ge [sflag:s23], $0x1  }
0xa4: {  	[sflag:s23] =	ssyncset.done $0x0  }
0xa5: {  	s25 =	simm.s32 $0x1B8E;
	s24 =	sld [smem:$0x3FFE];
	[sflag:s23] =	ssyncadd.s32 $0xFFFFFFFF  }
0xa6: {  	s26 =	simm.s32 $execute0_lowered;
	[smem:$0x3FD2] =	sst s25  }
0xa7: {  	s6 =	sshll.u32 s26, $0x1;
	_ =	strace $0x80000046;
	[dreg:$0x1] =	wrdreg $0xFFFFFFFF  }
0xa8: {  	s28 =	simm.s32 $_size_execute0_lowered;
	s4 =	sadd.s32 s4, s6;
	[dreg:$0x0] =	wrdreg $0x0  }
0xa9: {  	s6 =	sshll.u32 s28, $0x1;
	[dreg:$0x2] =	wrdreg s4  }
0xaa: {  	[dreg:$0x3] =	wrdreg s6  }
0xab: {  	[dreg:$0x4] =	wrdreg $0xC0  }
0xac: {  	_ =	task [dreg:s8], $0x5FFFF  }
0xad: {  	[dreg:$0x1] =	wrdreg $0xFFFFFFFF  }
0xae: {  	[dreg:$0x0] =	wrdreg $0x60  }
0xaf: {  	[dreg:$0x2] =	wrdreg s2  }
0xb0: {  	[dreg:$0x3] =	wrdreg s24  }
0xb1: {  	[dreg:$0x4] =	wrdreg s18  }
0xb2: {  	[dreg:$0x5] =	wrdreg $0x9  }
0xb3: {  	_ =	task.clear_ibuf [dreg:s8], $0x6FFFF;
	_ =	strace $0x90000046  }
0xb4: {  	s29 =	simm.s32 $0x9;
	_ =	strace $0x80000048  }
0xb5: {  	_ =	swait.ge [sflag:s29], $0x1  }
0xb6: {  	[sflag:s29] =	ssyncadd.s32 $0xFFFFFFFF  }
0xb7: {  	_ =	strace $0x90000048  }
0xb8: {  	_ =	sfence  }
0xb9: {  	s30 =	sld [smem:$0x0];
	_ =	sdelay $0x2  }
0xba: {  	s31 =	sshll.u32 s1, $0xD;
	s1 =	sshrl.u32 s1, $0x2  }
0xbb: {  	s3 =	sand.u32 $0x4000, s31;
	s1 =	sadd.s32 s1, s30  }
0xbc: {  	s0 =	sor.u32 s3, s0;
	s1 =	sshll.u32 s1, $0x11  }
0xbd: {  	s0 =	sor.u32 s1, s0  }
0xbe: {  	s0 =	sadd.s32 $0x8F2B, s0  }
0xbf: {  	[sflag:s0] =	ssyncadd.remote.s32 $0x1  }
0xc0: {  	_ =	sfence.sel $0xFFFF  }
0xc1: {  	[dreg:$0x0] =	wrdreg $0xFFFFFFFF;
	(pc) =	sbr.abs _section_cstart, $3  }
0xc2: {  	[dreg:$0x1] =	wrdreg $0xFFFFFFFF  }
0xc3: {  	_ =	task.clear_ibuf [dreg:s8], $0x2FFFF;
	_ =	strace $0x9FFFFFFF  }
0xc4: {  	(tm) =	ssettm $0x7FFFFFFF  }
0xc5: {  	_ =	shalt  }
tec
execute0_lowered:
.L_overlay_start_1:
0x0: {  	(tag) =	ssettag $0x1  }
0x1: {  	s1 =	rddreg [dreg:$0x0]  }
0x2: {  	s2 =	srdreg.scid;
	s6 =	rddreg [dreg:$0x1]  }
0x3: {  	s0 =	stileid.u32;
	s3 =	rddreg [dreg:$0x2];
	s10 =	simm.s32 $0x6400  }
0x4: {  	s11 =	simm.s32 $0x48;
	s12 =	simm.s32 $0xA400;
	s13 =	simm.s32 $0xC8  }
0x5: {  	s14 =	simm.s32 $0xC800;
	s15 =	simm.s32 $0x148;
	s16 =	simm.s32 $0x10800  }
0x6: {  	s17 =	simm.s32 $0x190;
	s18 =	simm.s32 $0x12C00;
	s19 =	simm.s32 $0x210  }
0x7: {  	s20 =	simm.s32 $0x16C00;
	s21 =	simm.s32 $0x1;
	s7 =	sand.u32 $0x1, s2  }
0x8: {  	s22 =	simm.s32 $0x2;
	s4 =	sshll.u32 s0, $0x8;
	s5 =	sshll.u32 s7, $0x7  }
0x9: {  	s2 =	rddreg [dreg:$0x3];
	s7 =	ssub.s32 $0x2, s7;
	s4 =	sor.u32 s5, s4  }
0xa: {  	s5 =	simm.s32 $0x0;
	s9 =	sshrl.u32 s7, $0x1;
	s8 =	smul.u32 $0x19, s4  }
0xb: {  	s23 =	simm.s32 $0x0;
	[smem:$0x7FF] =	sst s5;
	s7 =	ssub.s32 s7, s9  }
0xc: {  	s9 =	simm.s32 $0x80;
	_ =	strace $0x80000047;
	s6 =	sadd.s32 s8, s6  }
0xd: {  	s7 =	smax.u32 s7, $0x1;
	s8 =	simm.s32 $0x3;
	s6 =	sadd.s32 $0x400, s6  }
.LBB2_1:
0xe: {  	[tilespmem:s5], [sflag:$0x3] =	stream.linear.gather [hbm4b:s6+s5], $0x6400, $0x38;
	[tilespmem:$0x1F400] =	vst v63  }
0xf: {  	_ =	swait.ge [sflag:s8], $0x6400  }
0x10: {  	[sflag:s8] =	ssyncset.done $0x0  }
0x11: {  	[sflag:s8] =	ssyncadd.s32 $0xFFFF9C00  }
0x12: {  	[tilespmem:s10], [sflag:$0x1] =	stream.indirect.gather [hbm4b:s1+s9], $0x80, s5, s9, $0xb8;
	[tilespmem:$0x1F400] =	vst v63  }
0x13: {  	_ = 	snop  }
0x14: {  	[tilespmem:s12], [sflag:$0x1] =	stream.indirect.gather [hbm4b:s1+s11], $0x80, s9, s11, $0xb8;
	[tilespmem:$0x1F400] =	vst v63  }
0x15: {  	_ = 	snop  }
0x16: {  	[tilespmem:s14], [sflag:$0x1] =	stream.indirect.gather [hbm4b:s1+s9], $0x80, s13, s9, $0xb8;
	[tilespmem:$0x1F400] =	vst v63  }
0x17: {  	_ = 	snop  }
0x18: {  	[tilespmem:s16], [sflag:$0x1] =	stream.indirect.gather [hbm4b:s1+s11], $0x80, s15, s11, $0xb8;
	[tilespmem:$0x1F400] =	vst v63  }
0x19: {  	_ = 	snop  }
0x1a: {  	[tilespmem:s18], [sflag:$0x1] =	stream.indirect.gather [hbm4b:s1+s9], $0x80, s17, s9, $0xb8;
	[tilespmem:$0x1F400] =	vst v63  }
0x1b: {  	s24 =	simm.s32 $0x0;
	s25 =	simm.s32 $0x0  }
0x1c: {  	[tilespmem:s20], [sflag:$0x1] =	stream.indirect.gather [hbm4b:s1+s11], $0x80, s19, s11, $0xb8;
	[tilespmem:$0x1F400] =	vst v63  }
.LBB2_2:
0x1d: {  	_ =	swait.ge [sflag:s21], $0x4000;
	s26 =	sand.u32 $0x3, s24  }
0x1e: {  	s28 =	sadd.s32 s4, s25;
	[sflag:s21] =	ssyncset.done $0x0;
	s26 =	smul.u32 $0x19000, s26  }
0x1f: {  	s28 =	smul.u32 $0xC80, s28;
	[sflag:s21] =	ssyncadd.s32 $0xFFFFC000  }
0x20: {  	s29 =	simm.s32 $0x10;
	_ =	swait.ge [sflag:s21], $0x2400;
	s26 =	sshrl.u32 s26, $0x2  }
0x21: {  	s28 =	sadd.s32 s3, s28;
	[sflag:s21] =	ssyncset.done $0x0;
	s26 =	sadd.s32 $0x6400, s26  }
0x22: {  	s31 =	sadd.s32 $0x0, s28;
	[sflag:s21] =	ssyncadd.s32 $0xFFFFDC00;
	s30 =	sadd.s32 $0x80, s26  }
.LBB2_3:
0x23: {  	[hbm4b:s31+s5] =	stream.linear.scatter [tilespmem:s26], [sflag:$0x2], $0x40, $0x38;
	[tilespmem:$0x1F400] =	vst v63  }
0x24: {  	s31 =	smov.u32 s29;
	s26 =	smov.u32 s30;
	p0 =	sne.s32 s29, $0xC70  }
.Ltmp0:
0x25: {  	s29 =	sadd.s32 $0x10, s29;
	(pc) =	sbr.rel @p0 .LBB2_3-.Ltmp0, $2  }
0x26: {  	_ =	sdelay $0x2  }
0x27: {  	s30 =	sadd.s32 $0x80, s30;
	s31 =	sadd.s32 s31, s28  }
0x28: {  	[hbm4b:s31+s5] =	stream.linear.scatter [tilespmem:s26], [sflag:$0x2], $0x40, $0x38;
	[tilespmem:$0x1F400] =	vst v63  }
0x29: {  	p0 =	sgt.u32 s25, $0x7C  }
0x2a: {  	s26 =	sadd.s32 $0x3, s25;
	p1 =	seq.s32 @!p0 s25, $0x0  }
0x2b: {  	s28 =	sand.u32 $0x3, s26;
	p1 =	por p1, p0  }
0x2c: {  	s28 =	smul.u32 @!p0 $0x19000, s28;
	s29 =	simm.s32 @!p1 $0x2  }
0x2d: {  	s26 =	smul.u32 @!p0 $0x320, s26;
	s30 =	simm.s32 @!p0 $0x80;
	_ =	swait.ge @!p1 [sflag:s29], $0x3200  }
0x2e: {  	s25 =	sadd.s32 $0x1, s25;
	s28 =	sshrl.u32 @!p0 s28, $0x2;
	[sflag:s29] =	ssyncset.done @!p1 $0x0  }
0x2f: {  	s26 =	sshra.s32 @!p0 s26, $0x2;
	[sflag:s29] =	ssyncadd.s32 @!p1 $0xFFFFCE00;
	s29 =	sadd.s32 @!p0 $0x6400, s28  }
0x30: {  	[tilespmem:s29], [sflag:$0x1] =	stream.indirect.gather @!p0 [hbm4b:s1+s30], $0x80, s26, s30, $0xb8;
	[tilespmem:$0x1F400] =	vst v63  }
0x31: {  	s28 =	sadd.s32 @!p0 $0xA400, s28;
	s26 =	sadd.s32 @!p0 $0x80, s26;
	s29 =	simm.s32 @!p0 $0x48  }
0x32: {  	[tilespmem:s28], [sflag:$0x1] =	stream.indirect.gather @!p0 [hbm4b:s1+s29], $0x80, s26, s29, $0xb8;
	[tilespmem:$0x1F400] =	vst v63  }
0x33: {  	p0 =	sne.s32 s25, $0x80  }
.Ltmp1:
0x34: {  	_ = 	snop;
	(pc) =	sbr.rel @p0 .LBB2_2-.Ltmp1, $2  }
0x35: {  	_ =	sdelay $0x2  }
0x36: {  	s24 =	sadd.s32 $0x1, s24  }
0x37: {  	_ =	swait.ge [sflag:s22], $0x3200  }
0x38: {  	[sflag:s22] =	ssyncset.done $0x0  }
0x39: {  	[sflag:s22] =	ssyncadd.s32 $0xFFFFCE00  }
0x3a: {  	_ =	swait.ge [sflag:s22], $0x3200  }
0x3b: {  	[sflag:s22] =	ssyncset.done $0x0  }
0x3c: {  	s23 =	sadd.s32 $0x1, s23;
	[sflag:s22] =	ssyncadd.s32 $0xFFFFCE00  }
0x3d: {  	p0 =	sne.s32 s23, s7;
	_ =	swait.ge [sflag:s22], $0x3200  }
.Ltmp2:
0x3e: {  	[sflag:s22] =	ssyncset.done $0x0;
	(pc) =	sbr.rel @p0 .LBB2_1-.Ltmp2, $4  }
0x3f: {  	[sflag:s22] =	ssyncadd.s32 $0xFFFFCE00  }
0x40: {  	_ =	swait.ge [sflag:s22], $0x3200  }
0x41: {  	[sflag:s22] =	ssyncset.done $0x0  }
0x42: {  	[sflag:s22] =	ssyncadd.s32 $0xFFFFCE00  }
0x43: {  	_ =	sfence.sel $0x180000  }
0x44: {  	[bflag:$0x0] =	sbarrier.arrive $0xFFFF  }
0x45: {  	p0 =	sne.s32 s0, $0x0;
	_ =	strace $0x90000047  }
0x46: {  	s0 =	sadd.s32 @!p0 $0x100000, s2;
	[bflag:$0x2] =	sbarrier.arrive $0xFFFF  }
0x47: {  	[sflag:s0] =	ssyncadd.tile.s32 @!p0 $0x1;
	_ =	shalt  }
.Lfunc_end2:
_tile_overlayer_lowered:
.L_overlay_start_2:
0x48: {  	(tag) =	ssettag $0x2  }
0x49: {  	s0 =	rddreg [dreg:$0x0];
	s2 =	stileid.u32  }
0x4a: {  	s1 =	rddreg [dreg:$0x1];
	p0 =	sne.s32 s2, $0x0  }
0x4b: {  	s3 =	rddreg [dreg:$0x2];
	[bflag:$0x3] =	sbarrier.arrive $0xFFFF;
	s2 =	simm.s32 @!p0 $0x1C03  }
0x4c: {  	[timem:s3], [sflag:s2] =	dma.local @!p0 [hbm:s0], s1  }
0x4d: {  	s0 =	simm.s32 @!p0 $0x3  }
0x4e: {  	_ =	swait.ge @!p0 [sflag:s0], s1  }
0x4f: {  	s1 =	ssub.s32 @!p0 $0x0, s1;
	[sflag:s0] =	ssyncset.done @!p0 $0x0  }
0x50: {  	[sflag:s0] =	ssyncadd.s32 @!p0 s1  }
0x51: {  	[bflag:$0x3] =	sbarrier.arrive $0xFFFF  }
0x52: {  	_ =	shalt  }

</sc_bundles>
